<compile_context>
chip_gen: v7x
topology: tpu7x:2x2x1
jax: 0.10.2.dev20260603
libtpu: 0.0.44.dev20260713+nightly
codegen_flags: <defaults>
</compile_context>

<pallas_src>
import functools

import jax
import jax.numpy as jnp
from jax.experimental import pallas as pl



def _bf(v):
    return v.astype(jnp.bfloat16)


def _mm_relu_k(a_ref, w_ref, o_ref):
    o_ref[...] = jax.nn.relu(
        jnp.dot(_bf(a_ref[...]), _bf(w_ref[...]), preferred_element_type=jnp.float32))


def _mm2_k(a_ref, w1_ref, w2_ref, o_ref):
    h = jax.nn.relu(
        jnp.dot(_bf(a_ref[...]), _bf(w1_ref[...]), preferred_element_type=jnp.float32))
    o_ref[...] = jnp.dot(_bf(h), _bf(w2_ref[...]), preferred_element_type=jnp.float32)


def _relu_mm_k(a_ref, w_ref, o_ref):
    o_ref[...] = jnp.dot(_bf(jax.nn.relu(a_ref[...])), _bf(w_ref[...]),
                         preferred_element_type=jnp.float32)


def _mm(kfn, A, Ws, bm):
    M, K = A.shape
    N = Ws[-1].shape[1]
    bm = min(bm, M)
    grid = (M // bm,)
    in_specs = [pl.BlockSpec((bm, K), lambda i: (i, 0))]
    for w in Ws:
        in_specs.append(pl.BlockSpec(w.shape, lambda i: (0, 0)))
    return pl.pallas_call(
        kfn, grid=grid, in_specs=in_specs,
        out_specs=pl.BlockSpec((bm, N), lambda i: (i, 0)),
        out_shape=jax.ShapeDtypeStruct((M, N), jnp.float32))(A, *Ws)



def _vq_kernel(f_ref, cbt_ref, hi_ref, res_ref, fsq_ref, csq_ref,
               q_ref, cnt_ref, loss_ref, ppl_ref, *, nblk, total):
    i = pl.program_id(0)
    f = f_ref[...]
    cbt = cbt_ref[...]
    prod = jnp.dot(f, cbt, preferred_element_type=jnp.float32)
    scores = (fsq_ref[...] - 2.0 * prod) + csq_ref[...]
    idx = jnp.argmin(scores, axis=1).astype(jnp.int32)
    iota = jax.lax.broadcasted_iota(jnp.int32, scores.shape, 1)
    onehot = (iota == idx[:, None]).astype(jnp.float32)
    dims = (((1,), (1,)), ((), ()))
    quant = jax.lax.dot_general(onehot.astype(jnp.bfloat16), hi_ref[...],
                                dims, preferred_element_type=jnp.float32)
    quant = quant + jax.lax.dot_general(
        onehot, res_ref[...], dims, preferred_element_type=jnp.float32,
        precision=jax.lax.Precision.HIGHEST)
    q_ref[...] = quant

    @pl.when(i == 0)
    def _init():
        cnt_ref[...] = jnp.zeros_like(cnt_ref)
        loss_ref[...] = jnp.zeros_like(loss_ref)
        ppl_ref[...] = jnp.zeros_like(ppl_ref)

    cnt_ref[...] += jnp.sum(onehot, axis=0)[None, :]
    d = f - quant
    loss_ref[...] += jnp.sum(d * d).reshape(1, 1)

    @pl.when(i == nblk - 1)
    def _fin():
        loss_ref[...] = loss_ref[...] / (total * f.shape[1])
        probs = cnt_ref[...] / total
        ppl_ref[...] = jnp.exp(
            -jnp.sum(probs * jnp.log(probs + 1e-10))).reshape(1, 1)


def _vq(flat, codebook, bm=128):
    M, C = flat.shape
    Kc = codebook.shape[0]
    bm = min(bm, M)
    nblk = M // bm
    cbt = jnp.transpose(codebook)
    cb_hi = cbt.astype(jnp.bfloat16)
    cb_res = cbt - cb_hi.astype(jnp.float32)
    fsq = jnp.sum(flat * flat, axis=1, keepdims=True)
    csq = jnp.sum(codebook * codebook, axis=1)[None, :]
    kfn = functools.partial(_vq_kernel, nblk=nblk, total=float(M))
    quant, _, loss, ppl = pl.pallas_call(
        kfn, grid=(nblk,),
        in_specs=[pl.BlockSpec((bm, C), lambda i: (i, 0)),
                  pl.BlockSpec((C, Kc), lambda i: (0, 0)),
                  pl.BlockSpec((C, Kc), lambda i: (0, 0)),
                  pl.BlockSpec((C, Kc), lambda i: (0, 0)),
                  pl.BlockSpec((bm, 1), lambda i: (i, 0)),
                  pl.BlockSpec((1, Kc), lambda i: (0, 0))],
        out_specs=[pl.BlockSpec((bm, C), lambda i: (i, 0)),
                   pl.BlockSpec((1, Kc), lambda i: (0, 0)),
                   pl.BlockSpec((1, 1), lambda i: (0, 0)),
                   pl.BlockSpec((1, 1), lambda i: (0, 0))],
        out_shape=[jax.ShapeDtypeStruct((M, C), jnp.float32),
                   jax.ShapeDtypeStruct((1, Kc), jnp.float32),
                   jax.ShapeDtypeStruct((1, 1), jnp.float32),
                   jax.ShapeDtypeStruct((1, 1), jnp.float32)])(
                       flat, cbt, cb_hi, cb_res, fsq, csq)
    return quant, loss[0, 0], ppl[0, 0]



def _patches_s2(xp, Ho):
    cols = []
    for kh in range(3):
        for kw in range(3):
            cols.append(xp[:, kh:kh + 2 * Ho:2, kw:kw + 2 * Ho:2, :])
    return jnp.concatenate(cols, axis=-1)


def _patches_s1(xp, Ho):
    cols = []
    for kh in range(3):
        for kw in range(3):
            cols.append(xp[:, kh:kh + Ho, kw:kw + Ho, :])
    return jnp.concatenate(cols, axis=-1)


def _overlap_add_3x3(T, B, H, O):
    Tr = T.reshape(B, H, H, 3, 3, O)
    Tp = jnp.pad(Tr, ((0, 0), (1, 1), (1, 1), (0, 0), (0, 0), (0, 0)))
    acc = None
    for kh in range(3):
        for kw in range(3):
            s = Tp[:, kh:kh + H, kw:kw + H, kh, kw, :]
            acc = s if acc is None else acc + s
    return acc


def _deconv_assemble(T, B, Hin, O):
    Tr = T.reshape(B, Hin, Hin, 4, 4, O)
    Tp = jnp.pad(Tr, ((0, 0), (1, 1), (1, 1), (0, 0), (0, 0), (0, 0)))
    ys = []
    for ph in range(2):
        for pw in range(2):
            acc = None
            for a in range(2):
                for b2 in range(2):
                    s = Tp[:, a + ph:a + ph + Hin, b2 + pw:b2 + pw + Hin,
                           2 * a + ph, 2 * b2 + pw, :]
                    acc = s if acc is None else acc + s
            ys.append(acc)
    ys = jnp.stack(ys, axis=0).reshape(2, 2, B, Hin, Hin, O)
    return jnp.transpose(ys, (2, 3, 0, 4, 1, 5)).reshape(
        B, 2 * Hin, 2 * Hin, O)



def kernel(x, w_e1, w_e2, w_e3, codebook, w_d1, w_d2, w_d3):
    B, Cin, H0, _ = x.shape
    H1, H2 = H0 // 2, H0 // 4
    C1 = w_e1.shape[0]
    C2 = w_e2.shape[0]
    Cz = w_e3.shape[0]
    Cd1 = w_d1.shape[0]
    Cd2 = w_d2.shape[0]
    Cout = w_d3.shape[0]

    xn = jnp.transpose(x, (0, 2, 3, 1))
    xp = jnp.pad(xn, ((0, 0), (0, 1), (0, 1), (0, 0)))
    K1 = 9 * Cin
    K1p = (K1 + 7) // 8 * 8
    A1 = _patches_s2(xp, H1).reshape(B * H1 * H1, K1)
    A1 = jnp.pad(A1, ((0, 0), (0, K1p - K1)))
    W1 = jnp.transpose(w_e1, (2, 3, 1, 0)).reshape(K1, C1)
    W1 = jnp.pad(W1, ((0, K1p - K1), (0, 0)))
    h1 = _mm(_mm_relu_k, A1, [W1], 1024)

    h1p = jnp.pad(h1.reshape(B, H1, H1, C1),
                  ((0, 0), (0, 1), (0, 1), (0, 0)))
    A2 = _patches_s2(h1p, H2).reshape(B * H2 * H2, 9 * C1)
    W2 = jnp.transpose(w_e2, (2, 3, 1, 0)).reshape(9 * C1, C2)
    W3 = jnp.transpose(w_e3, (1, 2, 3, 0)).reshape(C2, 9 * Cz)
    T3 = _mm(_mm2_k, A2, [W2, W3], 256)
    emb = _overlap_add_3x3(T3, B, H2, Cz)
    flat = emb.reshape(B * H2 * H2, Cz)

    quant, loss, ppl = _vq(flat, codebook)

    qp = jnp.pad(quant.reshape(B, H2, H2, Cz),
                 ((0, 0), (1, 1), (1, 1), (0, 0)))
    Ad1 = _patches_s1(qp, H2).reshape(B * H2 * H2, 9 * Cz)
    Wd1 = jnp.transpose(w_d1, (2, 3, 1, 0)).reshape(9 * Cz, Cd1)
    Wd2 = jnp.transpose(w_d2, (1, 2, 3, 0)).reshape(Cd1, 16 * Cd2)
    Td2 = _mm(_mm2_k, Ad1, [Wd1, Wd2], 256)
    g2 = _deconv_assemble(Td2, B, H2, Cd2)

    Wd3 = jnp.transpose(w_d3, (1, 2, 3, 0)).reshape(Cd2, 16 * Cout)
    Td3 = _mm(_relu_mm_k, g2.reshape(B * H1 * H1, Cd2), [Wd3], 1024)
    rec = _deconv_assemble(Td3, B, H1, Cout)
    recon = jnp.transpose(rec, (0, 3, 1, 2))
    return recon, loss, ppl

# --- scband reference (transcript-rebuilt; emitter-appended) ---
"""Pipeline reference for scband-vqvae-91001767068114 (READ-ONLY COPY).

The authoritative reference and input builder live on the scoring server;
editing this copy changes nothing except your own understanding.
"""

import jax, jax.numpy as jnp
import numpy as np


def _conv(x, w, stride):
    return jax.lax.conv_general_dilated(x, w, (stride, stride), 'SAME', dimension_numbers=('NCHW', 'OIHW', 'NCHW'))


def _deconv(x, w):
    return jax.lax.conv_transpose(x, w, (2, 2), 'SAME', dimension_numbers=('NCHW', 'OIHW', 'NCHW'))


def setup_inputs(seed: int = 0) -> dict:
    key = jax.random.key(seed)
    ks = jax.random.split(key, 9)
    x = jax.random.normal(ks[0], (8, 3, 224, 224), dtype=jnp.float32)
    w_e1 = jax.random.normal(ks[1], (128, 3, 3, 3), dtype=jnp.float32) * 0.05
    w_e2 = jax.random.normal(ks[2], (256, 128, 3, 3), dtype=jnp.float32) * 0.02
    w_e3 = jax.random.normal(ks[3], (32, 256, 3, 3), dtype=jnp.float32) * 0.02
    codebook = jax.random.normal(ks[4], (8192, 32), dtype=jnp.float32)
    w_d1 = jax.random.normal(ks[5], (256, 32, 3, 3), dtype=jnp.float32) * 0.05
    w_d2 = jax.random.normal(ks[6], (128, 256, 4, 4), dtype=jnp.float32) * 0.02
    w_d3 = jax.random.normal(ks[7], (3, 128, 4, 4), dtype=jnp.float32) * 0.02
    return {"x": x, "w_e1": w_e1, "w_e2": w_e2, "w_e3": w_e3, "codebook": codebook, "w_d1": w_d1, "w_d2": w_d2, "w_d3": w_d3}


def reference(x, w_e1, w_e2, w_e3, codebook, w_d1, w_d2, w_d3):
    # Encoder: two stride-2 convs + projection to codebook_dim
    h = jax.nn.relu(_conv(x, w_e1, 2))
    h = jax.nn.relu(_conv(h, w_e2, 2))
    emb = _conv(h, w_e3, 1)  # (B, 32, 56, 56)
    b, c, hh, ww = emb.shape
    # rearrange 'b c h w -> (b h w) c'
    flat = jnp.transpose(emb, (0, 2, 3, 1)).reshape(-1, c)
    # VectorQuantizer: nearest-neighbor code assignment
    d = jnp.sum(flat * flat, axis=1, keepdims=True) - 2.0 * (flat @ codebook.T) + jnp.sum(codebook * codebook, axis=1)[None, :]
    idx = jnp.argmin(d, axis=1)
    quant = jnp.take(codebook, idx, axis=0)  # gather (memory-bound)
    commit_loss = jnp.mean((flat - jax.lax.stop_gradient(quant)) ** 2)
    # straight-through estimator
    quant_st = flat + jax.lax.stop_gradient(quant - flat)
    # perplexity over code usage (equivalent to mean of one-hot codes)
    counts = jnp.bincount(idx, length=codebook.shape[0]).astype(jnp.float32)
    probs = counts / flat.shape[0]
    ppl = jnp.exp(-jnp.sum(probs * jnp.log(probs + 1e-10)))
    # rearrange '(b h w) c -> b c h w'
    q = jnp.transpose(quant_st.reshape(b, hh, ww, c), (0, 3, 1, 2))
    # Decoder: projection + two stride-2 transposed convs
    g = jax.nn.relu(_conv(q, w_d1, 1))
    g = jax.nn.relu(_deconv(g, w_d2))
    recon = _deconv(g, w_d3)
    return (recon, commit_loss, ppl)

if __name__ == "__main__":
    import jax
    _d = setup_inputs()
    print(jax.jit(kernel)(*tuple(_d.values())))

</pallas_src>

<mosaic_0001>
module attributes {stable_mosaic.version = 14 : i64} {
  func.func @_mm_relu_k(%arg0: i32, %arg1: memref<1024x32xf32, #tpu.memory_space<vmem>>, %arg2: memref<32x128xf32, #tpu.memory_space<vmem>>, %arg3: memref<1024x128xf32, #tpu.memory_space<vmem>>) attributes {dimension_semantics = [#tpu.dimension_semantics<arbitrary>], iteration_bounds = array<i64: 98>, scalar_prefetch = 0 : i64, scratch_operands = 0 : i64, tpu.core_type = #tpu.core_type<tc>, window_params = [{transform_indices = @transform_0, window_bounds = array<i64: 1024, 32>}, {pipeline_mode = #tpu.pipeline_mode<synchronous>, transform_indices = @transform_1, window_bounds = array<i64: 32, 128>}, {transform_indices = @transform_2, window_bounds = array<i64: 1024, 128>}]} {
    %get3A = arith.constant 0 : index
    %get3A_0 = arith.constant 0 : index
    %get3A_1 = vector.load %arg1[%get3A, %get3A_0] : memref<1024x32xf32, #tpu.memory_space<vmem>>, vector<1024x32xf32>
    %convert_element_type3A = arith.truncf %get3A_1 : vector<1024x32xf32> to vector<1024x32xbf16>
    %get3A_2 = arith.constant 0 : index
    %get3A_3 = arith.constant 0 : index
    %get3A_4 = vector.load %arg2[%get3A_2, %get3A_3] : memref<32x128xf32, #tpu.memory_space<vmem>>, vector<32x128xf32>
    %convert_element_type3A_5 = arith.truncf %get3A_4 : vector<32x128xf32> to vector<32x128xbf16>
    %dot_general3A = arith.constant dense<0.000000e+00> : vector<1024x128xf32>
    %dot_general3A_6 = tpu.matmul %convert_element_type3A, %convert_element_type3A_5, %dot_general3A {dimension_numbers = #tpu.dot_dimension_numbers<[1], [0], [0], [1], [0, 0, 1, 1], [], []>, transpose_lhs_hint = false} : vector<1024x32xbf16>, vector<32x128xbf16>, vector<1024x128xf32> -> vector<1024x128xf32>
    %max3A = arith.constant 0.000000e+00 : f32
    %max3A_7 = vector.broadcast %max3A : f32 to vector<1024x128xf32>
    %max3A_8 = arith.maximumf %dot_general3A_6, %max3A_7 : vector<1024x128xf32>
    %swap3A = arith.constant 0 : index
    %swap3A_9 = arith.constant 0 : index
    %swap3A_10 = vector.load %arg3[%swap3A, %swap3A_9] : memref<1024x128xf32, #tpu.memory_space<vmem>>, vector<1024x128xf32>
    tpu.vector_store %arg3[%swap3A, %swap3A_9], %max3A_8 {strides = array<i32>} : memref<1024x128xf32, #tpu.memory_space<vmem>>, vector<1024x128xf32>,
    return
  }
  func.func @transform_0(%arg0: i32) -> (i32, i32) {
    %c0_i32 = arith.constant 0 : i32
    %c0_i32_0 = arith.constant 0 : i32
    return %arg0, %c0_i32 : i32, i32
  }
  func.func @transform_1(%arg0: i32) -> (i32, i32) {
    %c0_i32 = arith.constant 0 : i32
    %c0_i32_0 = arith.constant 0 : i32
    %c0_i32_1 = arith.constant 0 : i32
    return %c0_i32, %c0_i32_0 : i32, i32
  }
  func.func @transform_2(%arg0: i32) -> (i32, i32) {
    %c0_i32 = arith.constant 0 : i32
    %c0_i32_0 = arith.constant 0 : i32
    return %arg0, %c0_i32 : i32, i32
  }
}

module attributes {stable_mosaic.version = 14 : i64} {
  func.func @_mm2_k(%arg0: i32, %arg1: memref<256x1152xf32, #tpu.memory_space<vmem>>, %arg2: memref<1152x256xf32, #tpu.memory_space<vmem>>, %arg3: memref<256x288xf32, #tpu.memory_space<vmem>>, %arg4: memref<256x288xf32, #tpu.memory_space<vmem>>) attributes {dimension_semantics = [#tpu.dimension_semantics<arbitrary>], iteration_bounds = array<i64: 98>, scalar_prefetch = 0 : i64, scratch_operands = 0 : i64, tpu.core_type = #tpu.core_type<tc>, window_params = [{transform_indices = @transform_0, window_bounds = array<i64: 256, 1152>}, {pipeline_mode = #tpu.pipeline_mode<synchronous>, transform_indices = @transform_1, window_bounds = array<i64: 1152, 256>}, {pipeline_mode = #tpu.pipeline_mode<synchronous>, transform_indices = @transform_2, window_bounds = array<i64: 256, 288>}, {transform_indices = @transform_3, window_bounds = array<i64: 256, 288>}]} {
    %get3A = arith.constant 0 : index
    %get3A_0 = arith.constant 0 : index
    %get3A_1 = vector.load %arg1[%get3A, %get3A_0] : memref<256x1152xf32, #tpu.memory_space<vmem>>, vector<256x1152xf32>
    %convert_element_type3A = arith.truncf %get3A_1 : vector<256x1152xf32> to vector<256x1152xbf16>
    %get3A_2 = arith.constant 0 : index
    %get3A_3 = arith.constant 0 : index
    %get3A_4 = vector.load %arg2[%get3A_2, %get3A_3] : memref<1152x256xf32, #tpu.memory_space<vmem>>, vector<1152x256xf32>
    %convert_element_type3A_5 = arith.truncf %get3A_4 : vector<1152x256xf32> to vector<1152x256xbf16>
    %dot_general3A = arith.constant dense<0.000000e+00> : vector<256x256xf32>
    %dot_general3A_6 = tpu.matmul %convert_element_type3A, %convert_element_type3A_5, %dot_general3A {dimension_numbers = #tpu.dot_dimension_numbers<[1], [0], [0], [1], [0, 0, 1, 1], [], []>, transpose_lhs_hint = false} : vector<256x1152xbf16>, vector<1152x256xbf16>, vector<256x256xf32> -> vector<256x256xf32>
    %max3A = arith.constant 0.000000e+00 : f32
    %max3A_7 = vector.broadcast %max3A : f32 to vector<256x256xf32>
    %max3A_8 = arith.maximumf %dot_general3A_6, %max3A_7 : vector<256x256xf32>
    %convert_element_type3A_9 = arith.truncf %max3A_8 : vector<256x256xf32> to vector<256x256xbf16>
    %get3A_10 = arith.constant 0 : index
    %get3A_11 = arith.constant 0 : index
    %get3A_12 = vector.load %arg3[%get3A_10, %get3A_11] : memref<256x288xf32, #tpu.memory_space<vmem>>, vector<256x288xf32>
    %convert_element_type3A_13 = arith.truncf %get3A_12 : vector<256x288xf32> to vector<256x288xbf16>
    %dot_general3A_14 = arith.constant dense<0.000000e+00> : vector<256x288xf32>
    %dot_general3A_15 = tpu.matmul %convert_element_type3A_9, %convert_element_type3A_13, %dot_general3A_14 {dimension_numbers = #tpu.dot_dimension_numbers<[1], [0], [0], [1], [0, 0, 1, 1], [], []>, transpose_lhs_hint = false} : vector<256x256xbf16>, vector<256x288xbf16>, vector<256x288xf32> -> vector<256x288xf32>
    %swap3A = arith.constant 0 : index
    %swap3A_16 = arith.constant 0 : index
    %swap3A_17 = vector.load %arg4[%swap3A, %swap3A_16] : memref<256x288xf32, #tpu.memory_space<vmem>>, vector<256x288xf32>
    tpu.vector_store %arg4[%swap3A, %swap3A_16], %dot_general3A_15 {strides = array<i32>} : memref<256x288xf32, #tpu.memory_space<vmem>>, vector<256x288xf32>,
    return
  }
  func.func @transform_0(%arg0: i32) -> (i32, i32) {
    %c0_i32 = arith.constant 0 : i32
    %c0_i32_0 = arith.constant 0 : i32
    return %arg0, %c0_i32 : i32, i32
  }
  func.func @transform_1(%arg0: i32) -> (i32, i32) {
    %c0_i32 = arith.constant 0 : i32
    %c0_i32_0 = arith.constant 0 : i32
    %c0_i32_1 = arith.constant 0 : i32
    return %c0_i32, %c0_i32_0 : i32, i32
  }
  func.func @transform_2(%arg0: i32) -> (i32, i32) {
    %c0_i32 = arith.constant 0 : i32
    %c0_i32_0 = arith.constant 0 : i32
    %c0_i32_1 = arith.constant 0 : i32
    return %c0_i32, %c0_i32_0 : i32, i32
  }
  func.func @transform_3(%arg0: i32) -> (i32, i32) {
    %c0_i32 = arith.constant 0 : i32
    %c0_i32_0 = arith.constant 0 : i32
    return %arg0, %c0_i32 : i32, i32
  }
}

module attributes {stable_mosaic.version = 14 : i64} {
  func.func @_vq_kernel(%arg0: i32, %arg1: memref<128x32xf32, #tpu.memory_space<vmem>>, %arg2: memref<32x8192xf32, #tpu.memory_space<vmem>>, %arg3: memref<32x8192xbf16, #tpu.memory_space<vmem>>, %arg4: memref<32x8192xf32, #tpu.memory_space<vmem>>, %arg5: memref<128x1xf32, #tpu.memory_space<vmem>>, %arg6: memref<1x8192xf32, #tpu.memory_space<vmem>>, %arg7: memref<128x32xf32, #tpu.memory_space<vmem>>, %arg8: memref<1x8192xf32, #tpu.memory_space<vmem>>, %arg9: memref<1x1xf32, #tpu.memory_space<vmem>>, %arg10: memref<1x1xf32, #tpu.memory_space<vmem>>) attributes {dimension_semantics = [#tpu.dimension_semantics<arbitrary>], iteration_bounds = array<i64: 196>, scalar_prefetch = 0 : i64, scratch_operands = 0 : i64, tpu.core_type = #tpu.core_type<tc>, window_params = [{transform_indices = @transform_0, window_bounds = array<i64: 128, 32>}, {pipeline_mode = #tpu.pipeline_mode<synchronous>, transform_indices = @transform_1, window_bounds = array<i64: 32, 8192>}, {pipeline_mode = #tpu.pipeline_mode<synchronous>, transform_indices = @transform_2, window_bounds = array<i64: 32, 8192>}, {pipeline_mode = #tpu.pipeline_mode<synchronous>, transform_indices = @transform_3, window_bounds = array<i64: 32, 8192>}, {transform_indices = @transform_4, window_bounds = array<i64: 128, 1>}, {pipeline_mode = #tpu.pipeline_mode<synchronous>, transform_indices = @transform_5, window_bounds = array<i64: 1, 8192>}, {transform_indices = @transform_6, window_bounds = array<i64: 128, 32>}, {pipeline_mode = #tpu.pipeline_mode<synchronous>, transform_indices = @transform_7, window_bounds = array<i64: 1, 8192>}, {pipeline_mode = #tpu.pipeline_mode<synchronous>, transform_indices = @transform_8, window_bounds = array<i64: 1, 1>}, {pipeline_mode = #tpu.pipeline_mode<synchronous>, transform_indices = @transform_9, window_bounds = array<i64: 1, 1>}]} {
    %get3A = arith.constant 0 : index
    %get3A_0 = arith.constant 0 : index
    %get3A_1 = vector.load %arg1[%get3A, %get3A_0] : memref<128x32xf32, #tpu.memory_space<vmem>>, vector<128x32xf32>
    %get3A_2 = arith.constant 0 : index
    %get3A_3 = arith.constant 0 : index
    %get3A_4 = vector.load %arg2[%get3A_2, %get3A_3] : memref<32x8192xf32, #tpu.memory_space<vmem>>, vector<32x8192xf32>
    %dot_general3A = arith.constant dense<0.000000e+00> : vector<128x8192xf32>
    %dot_general3A_5 = tpu.matmul %get3A_1, %get3A_4, %dot_general3A {dimension_numbers = #tpu.dot_dimension_numbers<[1], [0], [0], [1], [0, 0, 1, 1], [], []>, transpose_lhs_hint = false} : vector<128x32xf32>, vector<32x8192xf32>, vector<128x8192xf32> -> vector<128x8192xf32>
    %get3A_6 = arith.constant 0 : index
    %get3A_7 = arith.constant 0 : index
    %get3A_8 = vector.load %arg5[%get3A_6, %get3A_7] : memref<128x1xf32, #tpu.memory_space<vmem>>, vector<128x1xf32>
    %mul3A = arith.constant 2.000000e+00 : f32
    %mul3A_9 = vector.broadcast %mul3A : f32 to vector<128x8192xf32>
    %mul3A_10 = arith.mulf %mul3A_9, %dot_general3A_5 : vector<128x8192xf32>
    %sub3A = vector.broadcast %get3A_8 : vector<128x1xf32> to vector<128x8192xf32>
    %sub3A_11 = arith.subf %sub3A, %mul3A_10 : vector<128x8192xf32>
    %get3A_12 = arith.constant 0 : index
    %get3A_13 = arith.constant 0 : index
    %get3A_14 = vector.load %arg6[%get3A_12, %get3A_13] : memref<1x8192xf32, #tpu.memory_space<vmem>>, vector<1x8192xf32>
    %add3A = vector.broadcast %get3A_14 : vector<1x8192xf32> to vector<128x8192xf32>
    %add3A_15 = arith.addf %sub3A_11, %add3A : vector<128x8192xf32>
    %argmin3A = tpu.reduce_index %add3A_15 {axis = 1 : i32, kind = #tpu.reduction_kind<arg_min>} : vector<128x8192xf32> -> vector<128xi32>
    %iota3A = tpu.iota {dimensions = array<i32: 1>} : vector<128x8192xi32>
    %broadcast_in_dim3A = vector.shape_cast %argmin3A : vector<128xi32> to vector<128x1xi32>
    %eq3A = vector.broadcast %broadcast_in_dim3A : vector<128x1xi32> to vector<128x8192xi32>
    %eq3A_16 = arith.cmpi eq, %iota3A, %eq3A : vector<128x8192xi32>
    %convert_element_type3A = arith.extui %eq3A_16 : vector<128x8192xi1> to vector<128x8192xi32>
    %convert_element_type3A_17 = arith.sitofp %convert_element_type3A : vector<128x8192xi32> to vector<128x8192xf32>
    %convert_element_type3A_18 = arith.truncf %convert_element_type3A_17 : vector<128x8192xf32> to vector<128x8192xbf16>
    %get3A_19 = arith.constant 0 : index
    %get3A_20 = arith.constant 0 : index
    %get3A_21 = vector.load %arg3[%get3A_19, %get3A_20] : memref<32x8192xbf16, #tpu.memory_space<vmem>>, vector<32x8192xbf16>
    %dot_general3A_22 = arith.constant dense<0.000000e+00> : vector<128x32xf32>
    %dot_general3A_23 = tpu.matmul %convert_element_type3A_18, %get3A_21, %dot_general3A_22 {dimension_numbers = #tpu.dot_dimension_numbers<[1], [1], [0], [0], [0, 0, 1, 0], [], []>, transpose_lhs_hint = false} : vector<128x8192xbf16>, vector<32x8192xbf16>, vector<128x32xf32> -> vector<128x32xf32>
    %get3A_24 = arith.constant 0 : index
    %get3A_25 = arith.constant 0 : index
    %get3A_26 = vector.load %arg4[%get3A_24, %get3A_25] : memref<32x8192xf32, #tpu.memory_space<vmem>>, vector<32x8192xf32>
    %dot_general3A_27 = arith.constant dense<0.000000e+00> : vector<128x32xf32>
    %dot_general3A_28 = tpu.matmul %convert_element_type3A_17, %get3A_26, %dot_general3A_27 {dimension_numbers = #tpu.dot_dimension_numbers<[1], [1], [0], [0], [0, 0, 1, 0], [], []>, precision = #tpu.contract_precision<fp32>, transpose_lhs_hint = false} : vector<128x8192xf32>, vector<32x8192xf32>, vector<128x32xf32> -> vector<128x32xf32>
    %add3A_29 = arith.addf %dot_general3A_23, %dot_general3A_28 : vector<128x32xf32>
    %swap3A = arith.constant 0 : index
    %swap3A_30 = arith.constant 0 : index
    %swap3A_31 = vector.load %arg7[%swap3A, %swap3A_30] : memref<128x32xf32, #tpu.memory_space<vmem>>, vector<128x32xf32>
    tpu.vector_store %arg7[%swap3A, %swap3A_30], %add3A_29 {strides = array<i32>} : memref<128x32xf32, #tpu.memory_space<vmem>>, vector<128x32xf32>,
    %eq3A_32 = arith.constant 0 : i32
    %eq3A_33 = arith.cmpi eq, %arg0, %eq3A_32 : i32
    %convert_element_type3A_34 = arith.extui %eq3A_33 : i1 to i32
    %cond3A = arith.constant 0 : i32
    %cond3A_35 = arith.cmpi ne, %convert_element_type3A_34, %cond3A : i32
    scf.if %cond3A_35 {
      %broadcast_in_dim3A_64 = arith.constant 0.000000e+00 : f32
      %broadcast_in_dim3A_65 = vector.broadcast %broadcast_in_dim3A_64 : f32 to vector<1x8192xf32>
      %swap3A_66 = arith.constant 0 : index
      %swap3A_67 = arith.constant 0 : index
      %swap3A_68 = vector.load %arg8[%swap3A_66, %swap3A_67] : memref<1x8192xf32, #tpu.memory_space<vmem>>, vector<1x8192xf32>
      tpu.vector_store %arg8[%swap3A_66, %swap3A_67], %broadcast_in_dim3A_65 {strides = array<i32>} : memref<1x8192xf32, #tpu.memory_space<vmem>>, vector<1x8192xf32>,
      %broadcast_in_dim3A_69 = arith.constant 0.000000e+00 : f32
      %broadcast_in_dim3A_70 = vector.broadcast %broadcast_in_dim3A_69 : f32 to vector<1x1xf32>
      %swap3A_71 = arith.constant 0 : index
      %swap3A_72 = arith.constant 0 : index
      %swap3A_73 = vector.load %arg9[%swap3A_71, %swap3A_72] : memref<1x1xf32, #tpu.memory_space<vmem>>, vector<1x1xf32>
      tpu.vector_store %arg9[%swap3A_71, %swap3A_72], %broadcast_in_dim3A_70 {strides = array<i32>} : memref<1x1xf32, #tpu.memory_space<vmem>>, vector<1x1xf32>,
      %broadcast_in_dim3A_74 = arith.constant 0.000000e+00 : f32
      %broadcast_in_dim3A_75 = vector.broadcast %broadcast_in_dim3A_74 : f32 to vector<1x1xf32>
      %swap3A_76 = arith.constant 0 : index
      %swap3A_77 = arith.constant 0 : index
      %swap3A_78 = vector.load %arg10[%swap3A_76, %swap3A_77] : memref<1x1xf32, #tpu.memory_space<vmem>>, vector<1x1xf32>
      tpu.vector_store %arg10[%swap3A_76, %swap3A_77], %broadcast_in_dim3A_75 {strides = array<i32>} : memref<1x1xf32, #tpu.memory_space<vmem>>, vector<1x1xf32>,
    } else {
    }
    %get3A_36 = arith.constant 0 : index
    %get3A_37 = arith.constant 0 : index
    %get3A_38 = vector.load %arg8[%get3A_36, %get3A_37] : memref<1x8192xf32, #tpu.memory_space<vmem>>, vector<1x8192xf32>
    %reduce_sum3A = arith.constant dense<0.000000e+00> : vector<8192xf32>
    %reduce_sum3A_39 = vector.multi_reduction <add>, %convert_element_type3A_17, %reduce_sum3A [0] : vector<128x8192xf32> to vector<8192xf32>
    %broadcast_in_dim3A_40 = vector.shape_cast %reduce_sum3A_39 : vector<8192xf32> to vector<1x8192xf32>
    %add3A_41 = arith.addf %get3A_38, %broadcast_in_dim3A_40 : vector<1x8192xf32>
    %swap3A_42 = arith.constant 0 : index
    %swap3A_43 = arith.constant 0 : index
    %swap3A_44 = vector.load %arg8[%swap3A_42, %swap3A_43] : memref<1x8192xf32, #tpu.memory_space<vmem>>, vector<1x8192xf32>
    tpu.vector_store %arg8[%swap3A_42, %swap3A_43], %add3A_41 {strides = array<i32>} : memref<1x8192xf32, #tpu.memory_space<vmem>>, vector<1x8192xf32>,
    %sub3A_45 = arith.subf %get3A_1, %add3A_29 : vector<128x32xf32>
    %get3A_46 = arith.constant 0 : index
    %get3A_47 = arith.constant 0 : index
    %get3A_48 = vector.load %arg9[%get3A_46, %get3A_47] : memref<1x1xf32, #tpu.memory_space<vmem>>, vector<1x1xf32>
    %mul3A_49 = arith.mulf %sub3A_45, %sub3A_45 : vector<128x32xf32>
    %reduce_sum3A_50 = vector.shape_cast %mul3A_49 : vector<128x32xf32> to vector<1x128x32xf32>
    %reduce_sum3A_51 = arith.constant dense<0.000000e+00> : vector<1xf32>
    %reduce_sum3A_52 = vector.multi_reduction <add>, %reduce_sum3A_50, %reduce_sum3A_51 [1, 2] : vector<1x128x32xf32> to vector<1xf32>
    %reduce_sum3A_53 = vector.shape_cast %reduce_sum3A_52 : vector<1xf32> to vector<1x1x1xf32>
    %reduce_sum3A_54 = vector.extract %reduce_sum3A_53[0, 0, 0] : f32 from vector<1x1x1xf32>
    %reshape3A = vector.broadcast %reduce_sum3A_54 : f32 to vector<1x1xf32>
    %add3A_55 = arith.addf %get3A_48, %reshape3A : vector<1x1xf32>
    %swap3A_56 = arith.constant 0 : index
    %swap3A_57 = arith.constant 0 : index
    %swap3A_58 = vector.load %arg9[%swap3A_56, %swap3A_57] : memref<1x1xf32, #tpu.memory_space<vmem>>, vector<1x1xf32>
    tpu.vector_store %arg9[%swap3A_56, %swap3A_57], %add3A_55 {strides = array<i32>} : memref<1x1xf32, #tpu.memory_space<vmem>>, vector<1x1xf32>,
    %eq3A_59 = arith.constant 195 : i32
    %eq3A_60 = arith.cmpi eq, %arg0, %eq3A_59 : i32
    %convert_element_type3A_61 = arith.extui %eq3A_60 : i1 to i32
    %cond3A_62 = arith.constant 0 : i32
    %cond3A_63 = arith.cmpi ne, %convert_element_type3A_61, %cond3A_62 : i32
    scf.if %cond3A_63 {
      %get3A_64 = arith.constant 0 : index
      %get3A_65 = arith.constant 0 : index
      %get3A_66 = vector.load %arg9[%get3A_64, %get3A_65] : memref<1x1xf32, #tpu.memory_space<vmem>>, vector<1x1xf32>
      %div3A = arith.constant 8.028160e+05 : f32
      %div3A_67 = vector.broadcast %div3A : f32 to vector<1x1xf32>
      %div3A_68 = arith.divf %get3A_66, %div3A_67 : vector<1x1xf32>
      %swap3A_69 = arith.constant 0 : index
      %swap3A_70 = arith.constant 0 : index
      %swap3A_71 = vector.load %arg9[%swap3A_69, %swap3A_70] : memref<1x1xf32, #tpu.memory_space<vmem>>, vector<1x1xf32>
      tpu.vector_store %arg9[%swap3A_69, %swap3A_70], %div3A_68 {strides = array<i32>} : memref<1x1xf32, #tpu.memory_space<vmem>>, vector<1x1xf32>,
      %get3A_72 = arith.constant 0 : index
      %get3A_73 = arith.constant 0 : index
      %get3A_74 = vector.load %arg8[%get3A_72, %get3A_73] : memref<1x8192xf32, #tpu.memory_space<vmem>>, vector<1x8192xf32>
      %div3A_75 = arith.constant 2.508800e+04 : f32
      %div3A_76 = vector.broadcast %div3A_75 : f32 to vector<1x8192xf32>
      %div3A_77 = arith.divf %get3A_74, %div3A_76 : vector<1x8192xf32>
      %add3A_78 = arith.constant 1.000000e-10 : f32
      %add3A_79 = vector.broadcast %add3A_78 : f32 to vector<1x8192xf32>
      %add3A_80 = arith.addf %div3A_77, %add3A_79 : vector<1x8192xf32>
      %log3A = math.log %add3A_80 : vector<1x8192xf32>
      %mul3A_81 = arith.mulf %div3A_77, %log3A : vector<1x8192xf32>
      %reduce_sum3A_82 = vector.shape_cast %mul3A_81 : vector<1x8192xf32> to vector<1x1x8192xf32>
      %reduce_sum3A_83 = arith.constant dense<0.000000e+00> : vector<1xf32>
      %reduce_sum3A_84 = vector.multi_reduction <add>, %reduce_sum3A_82, %reduce_sum3A_83 [1, 2] : vector<1x1x8192xf32> to vector<1xf32>
      %reduce_sum3A_85 = vector.shape_cast %reduce_sum3A_84 : vector<1xf32> to vector<1x1x1xf32>
      %reduce_sum3A_86 = vector.extract %reduce_sum3A_85[0, 0, 0] : f32 from vector<1x1x1xf32>
      %neg3A = arith.constant 0.000000e+00 : f32
      %neg3A_87 = arith.subf %neg3A, %reduce_sum3A_86 : f32
      %exp3A = math.exp %neg3A_87 : f32
      %reshape3A_88 = vector.broadcast %exp3A : f32 to vector<1x1xf32>
      %swap3A_89 = arith.constant 0 : index
      %swap3A_90 = arith.constant 0 : index
      %swap3A_91 = vector.load %arg10[%swap3A_89, %swap3A_90] : memref<1x1xf32, #tpu.memory_space<vmem>>, vector<1x1xf32>
      tpu.vector_store %arg10[%swap3A_89, %swap3A_90], %reshape3A_88 {strides = array<i32>} : memref<1x1xf32, #tpu.memory_space<vmem>>, vector<1x1xf32>,
    } else {
    }
    return
  }
  func.func @transform_0(%arg0: i32) -> (i32, i32) {
    %c0_i32 = arith.constant 0 : i32
    %c0_i32_0 = arith.constant 0 : i32
    return %arg0, %c0_i32 : i32, i32
  }
  func.func @transform_1(%arg0: i32) -> (i32, i32) {
    %c0_i32 = arith.constant 0 : i32
    %c0_i32_0 = arith.constant 0 : i32
    %c0_i32_1 = arith.constant 0 : i32
    return %c0_i32, %c0_i32_0 : i32, i32
  }
  func.func @transform_2(%arg0: i32) -> (i32, i32) {
    %c0_i32 = arith.constant 0 : i32
    %c0_i32_0 = arith.constant 0 : i32
    %c0_i32_1 = arith.constant 0 : i32
    return %c0_i32, %c0_i32_0 : i32, i32
  }
  func.func @transform_3(%arg0: i32) -> (i32, i32) {
    %c0_i32 = arith.constant 0 : i32
    %c0_i32_0 = arith.constant 0 : i32
    %c0_i32_1 = arith.constant 0 : i32
    return %c0_i32, %c0_i32_0 : i32, i32
  }
  func.func @transform_4(%arg0: i32) -> (i32, i32) {
    %c0_i32 = arith.constant 0 : i32
    %c0_i32_0 = arith.constant 0 : i32
    return %arg0, %c0_i32 : i32, i32
  }
  func.func @transform_5(%arg0: i32) -> (i32, i32) {
    %c0_i32 = arith.constant 0 : i32
    %c0_i32_0 = arith.constant 0 : i32
    %c0_i32_1 = arith.constant 0 : i32
    return %c0_i32, %c0_i32_0 : i32, i32
  }
  func.func @transform_6(%arg0: i32) -> (i32, i32) {
    %c0_i32 = arith.constant 0 : i32
    %c0_i32_0 = arith.constant 0 : i32
    return %arg0, %c0_i32 : i32, i32
  }
  func.func @transform_7(%arg0: i32) -> (i32, i32) {
    %c0_i32 = arith.constant 0 : i32
    %c0_i32_0 = arith.constant 0 : i32
    %c0_i32_1 = arith.constant 0 : i32
    return %c0_i32, %c0_i32_0 : i32, i32
  }
  func.func @transform_8(%arg0: i32) -> (i32, i32) {
    %c0_i32 = arith.constant 0 : i32
    %c0_i32_0 = arith.constant 0 : i32
    %c0_i32_1 = arith.constant 0 : i32
    return %c0_i32, %c0_i32_0 : i32, i32
  }
  func.func @transform_9(%arg0: i32) -> (i32, i32) {
    %c0_i32 = arith.constant 0 : i32
    %c0_i32_0 = arith.constant 0 : i32
    %c0_i32_1 = arith.constant 0 : i32
    return %c0_i32, %c0_i32_0 : i32, i32
  }
}

module attributes {stable_mosaic.version = 14 : i64} {
  func.func @_mm2_k(%arg0: i32, %arg1: memref<256x288xf32, #tpu.memory_space<vmem>>, %arg2: memref<288x256xf32, #tpu.memory_space<vmem>>, %arg3: memref<256x2048xf32, #tpu.memory_space<vmem>>, %arg4: memref<256x2048xf32, #tpu.memory_space<vmem>>) attributes {dimension_semantics = [#tpu.dimension_semantics<arbitrary>], iteration_bounds = array<i64: 98>, scalar_prefetch = 0 : i64, scratch_operands = 0 : i64, tpu.core_type = #tpu.core_type<tc>, window_params = [{transform_indices = @transform_0, window_bounds = array<i64: 256, 288>}, {pipeline_mode = #tpu.pipeline_mode<synchronous>, transform_indices = @transform_1, window_bounds = array<i64: 288, 256>}, {pipeline_mode = #tpu.pipeline_mode<synchronous>, transform_indices = @transform_2, window_bounds = array<i64: 256, 2048>}, {transform_indices = @transform_3, window_bounds = array<i64: 256, 2048>}]} {
    %get3A = arith.constant 0 : index
    %get3A_0 = arith.constant 0 : index
    %get3A_1 = vector.load %arg1[%get3A, %get3A_0] : memref<256x288xf32, #tpu.memory_space<vmem>>, vector<256x288xf32>
    %convert_element_type3A = arith.truncf %get3A_1 : vector<256x288xf32> to vector<256x288xbf16>
    %get3A_2 = arith.constant 0 : index
    %get3A_3 = arith.constant 0 : index
    %get3A_4 = vector.load %arg2[%get3A_2, %get3A_3] : memref<288x256xf32, #tpu.memory_space<vmem>>, vector<288x256xf32>
    %convert_element_type3A_5 = arith.truncf %get3A_4 : vector<288x256xf32> to vector<288x256xbf16>
    %dot_general3A = arith.constant dense<0.000000e+00> : vector<256x256xf32>
    %dot_general3A_6 = tpu.matmul %convert_element_type3A, %convert_element_type3A_5, %dot_general3A {dimension_numbers = #tpu.dot_dimension_numbers<[1], [0], [0], [1], [0, 0, 1, 1], [], []>, transpose_lhs_hint = false} : vector<256x288xbf16>, vector<288x256xbf16>, vector<256x256xf32> -> vector<256x256xf32>
    %max3A = arith.constant 0.000000e+00 : f32
    %max3A_7 = vector.broadcast %max3A : f32 to vector<256x256xf32>
    %max3A_8 = arith.maximumf %dot_general3A_6, %max3A_7 : vector<256x256xf32>
    %convert_element_type3A_9 = arith.truncf %max3A_8 : vector<256x256xf32> to vector<256x256xbf16>
    %get3A_10 = arith.constant 0 : index
    %get3A_11 = arith.constant 0 : index
    %get3A_12 = vector.load %arg3[%get3A_10, %get3A_11] : memref<256x2048xf32, #tpu.memory_space<vmem>>, vector<256x2048xf32>
    %convert_element_type3A_13 = arith.truncf %get3A_12 : vector<256x2048xf32> to vector<256x2048xbf16>
    %dot_general3A_14 = arith.constant dense<0.000000e+00> : vector<256x2048xf32>
    %dot_general3A_15 = tpu.matmul %convert_element_type3A_9, %convert_element_type3A_13, %dot_general3A_14 {dimension_numbers = #tpu.dot_dimension_numbers<[1], [0], [0], [1], [0, 0, 1, 1], [], []>, transpose_lhs_hint = false} : vector<256x256xbf16>, vector<256x2048xbf16>, vector<256x2048xf32> -> vector<256x2048xf32>
    %swap3A = arith.constant 0 : index
    %swap3A_16 = arith.constant 0 : index
    %swap3A_17 = vector.load %arg4[%swap3A, %swap3A_16] : memref<256x2048xf32, #tpu.memory_space<vmem>>, vector<256x2048xf32>
    tpu.vector_store %arg4[%swap3A, %swap3A_16], %dot_general3A_15 {strides = array<i32>} : memref<256x2048xf32, #tpu.memory_space<vmem>>, vector<256x2048xf32>,
    return
  }
  func.func @transform_0(%arg0: i32) -> (i32, i32) {
    %c0_i32 = arith.constant 0 : i32
    %c0_i32_0 = arith.constant 0 : i32
    return %arg0, %c0_i32 : i32, i32
  }
  func.func @transform_1(%arg0: i32) -> (i32, i32) {
    %c0_i32 = arith.constant 0 : i32
    %c0_i32_0 = arith.constant 0 : i32
    %c0_i32_1 = arith.constant 0 : i32
    return %c0_i32, %c0_i32_0 : i32, i32
  }
  func.func @transform_2(%arg0: i32) -> (i32, i32) {
    %c0_i32 = arith.constant 0 : i32
    %c0_i32_0 = arith.constant 0 : i32
    %c0_i32_1 = arith.constant 0 : i32
    return %c0_i32, %c0_i32_0 : i32, i32
  }
  func.func @transform_3(%arg0: i32) -> (i32, i32) {
    %c0_i32 = arith.constant 0 : i32
    %c0_i32_0 = arith.constant 0 : i32
    return %arg0, %c0_i32 : i32, i32
  }
}

module attributes {stable_mosaic.version = 14 : i64} {
  func.func @_relu_mm_k(%arg0: i32, %arg1: memref<1024x128xf32, #tpu.memory_space<vmem>>, %arg2: memref<128x48xf32, #tpu.memory_space<vmem>>, %arg3: memref<1024x48xf32, #tpu.memory_space<vmem>>) attributes {dimension_semantics = [#tpu.dimension_semantics<arbitrary>], iteration_bounds = array<i64: 98>, scalar_prefetch = 0 : i64, scratch_operands = 0 : i64, tpu.core_type = #tpu.core_type<tc>, window_params = [{transform_indices = @transform_0, window_bounds = array<i64: 1024, 128>}, {pipeline_mode = #tpu.pipeline_mode<synchronous>, transform_indices = @transform_1, window_bounds = array<i64: 128, 48>}, {transform_indices = @transform_2, window_bounds = array<i64: 1024, 48>}]} {
    %get3A = arith.constant 0 : index
    %get3A_0 = arith.constant 0 : index
    %get3A_1 = vector.load %arg1[%get3A, %get3A_0] : memref<1024x128xf32, #tpu.memory_space<vmem>>, vector<1024x128xf32>
    %max3A = arith.constant 0.000000e+00 : f32
    %max3A_2 = vector.broadcast %max3A : f32 to vector<1024x128xf32>
    %max3A_3 = arith.maximumf %get3A_1, %max3A_2 : vector<1024x128xf32>
    %convert_element_type3A = arith.truncf %max3A_3 : vector<1024x128xf32> to vector<1024x128xbf16>
    %get3A_4 = arith.constant 0 : index
    %get3A_5 = arith.constant 0 : index
    %get3A_6 = vector.load %arg2[%get3A_4, %get3A_5] : memref<128x48xf32, #tpu.memory_space<vmem>>, vector<128x48xf32>
    %convert_element_type3A_7 = arith.truncf %get3A_6 : vector<128x48xf32> to vector<128x48xbf16>
    %dot_general3A = arith.constant dense<0.000000e+00> : vector<1024x48xf32>
    %dot_general3A_8 = tpu.matmul %convert_element_type3A, %convert_element_type3A_7, %dot_general3A {dimension_numbers = #tpu.dot_dimension_numbers<[1], [0], [0], [1], [0, 0, 1, 1], [], []>, transpose_lhs_hint = false} : vector<1024x128xbf16>, vector<128x48xbf16>, vector<1024x48xf32> -> vector<1024x48xf32>
    %swap3A = arith.constant 0 : index
    %swap3A_9 = arith.constant 0 : index
    %swap3A_10 = vector.load %arg3[%swap3A, %swap3A_9] : memref<1024x48xf32, #tpu.memory_space<vmem>>, vector<1024x48xf32>
    tpu.vector_store %arg3[%swap3A, %swap3A_9], %dot_general3A_8 {strides = array<i32>} : memref<1024x48xf32, #tpu.memory_space<vmem>>, vector<1024x48xf32>,
    return
  }
  func.func @transform_0(%arg0: i32) -> (i32, i32) {
    %c0_i32 = arith.constant 0 : i32
    %c0_i32_0 = arith.constant 0 : i32
    return %arg0, %c0_i32 : i32, i32
  }
  func.func @transform_1(%arg0: i32) -> (i32, i32) {
    %c0_i32 = arith.constant 0 : i32
    %c0_i32_0 = arith.constant 0 : i32
    %c0_i32_1 = arith.constant 0 : i32
    return %c0_i32, %c0_i32_0 : i32, i32
  }
  func.func @transform_2(%arg0: i32) -> (i32, i32) {
    %c0_i32 = arith.constant 0 : i32
    %c0_i32_0 = arith.constant 0 : i32
    return %arg0, %c0_i32 : i32, i32
  }
}

</mosaic_0001>

<sc_bundles>
// kernel: sparse-core-data-format-call.1.cloned.1.call-start
scs
called_computation.1_lowered:
.L_overlay_start_0:
0x0: {  	s1 =	sld [smem:$0x3FD9]  }
0x1: {  	s2 =	sld [smem:$0x3FFE];
	_ =	sdelay $0x1  }
0x2: {  	s3 =	srdreg.scid  }
0x3: {  	s0 =	sand.u32 $0x1, s3  }
0x4: {  	s17 =	sshll.u32 s0, $0xA;
	s1 =	sadd.s32 s2, s1  }
0x5: {  	s1 =	sadd.s32 s1, s17  }
0x6: {  	[smem:$0x3FC0] =	sst s1  }
0x7: {  	_ = 	snop  }
0x8: {  	(tm) =	ssettm $0x1  }
0x9: {  	s18 =	sld [smem:$0x3FFB];
	_ =	sdelay $0x3  }
0xa: {  	_ =	strace s18  }
0xb: {  	s1 =	sld [smem:$0x3FFC];
	_ =	sdelay $0x3  }
0xc: {  	_ =	strace s1  }
0xd: {  	s1 =	sld [smem:$0x3FFD];
	_ =	sdelay $0x3  }
0xe: {  	_ =	strace s1  }
0xf: {  	_ =	strace $0x8FFFFFFF  }
0x10: {  	s19 =	sld [smem:$0x3FDB];
	_ =	sdelay $0x1  }
0x11: {  	s20 =	simm.s32 $_scs_section_size  }
0x12: {  	s4 =	simm.s32 $_size__tile_overlayer_lowered;
	s5 =	simm.s32 $_tile_overlayer_lowered  }
0x13: {  	s23 =	simm.s32 $0x1BFF;
	s22 =	sshll.u32 s5, $0x1;
	s1 =	sadd.s32 s20, s19  }
0x14: {  	s6 =	simm.s32 $0x0;
	s21 =	sshll.u32 s4, $0x1;
	s4 =	sadd.s32 s22, s1  }
0x15: {  	[timem:s6], [sflag:s23] =	dma.local [hbm:s4], s21  }
0x16: {  	_ =	swait.ge [sflag:s23], s21  }
0x17: {  	s2 =	ssub.s32 $0x0, s21;
	[sflag:s23] =	ssyncset.done $0x0  }
0x18: {  	[sflag:s23] =	ssyncadd.s32 s2;
	_ =	sdelay $0x1  }
0x19: {  	s24 =	simm.s32 $0x1B8B  }
0x1a: {  	_ =	swait.ge [sflag:s24], $0x1  }
0x1b: {  	[sflag:s24] =	ssyncset.done $0x0  }
0x1c: {  	s26 =	simm.s32 $0x1B8E;
	s25 =	sld [smem:$0x3FFE];
	[sflag:s24] =	ssyncadd.s32 $0xFFFFFFFF  }
0x1d: {  	s27 =	simm.s32 $execute0_lowered;
	[smem:$0x3FD2] =	sst s26  }
0x1e: {  	s4 =	sshll.u32 s27, $0x1;
	_ =	strace $0x80000046;
	[dreg:$0x1] =	wrdreg $0xFFFFFFFF  }
0x1f: {  	s28 =	simm.s32 $_size_execute0_lowered;
	s1 =	sadd.s32 s1, s4;
	[dreg:$0x0] =	wrdreg $0x0  }
0x20: {  	s4 =	sshll.u32 s28, $0x1;
	[dreg:$0x2] =	wrdreg s1  }
0x21: {  	[dreg:$0x3] =	wrdreg s4  }
0x22: {  	[dreg:$0x4] =	wrdreg $0xC0  }
0x23: {  	_ =	task [dreg:s6], $0x5FFFF  }
0x24: {  	[dreg:$0x1] =	wrdreg $0xFFFFFFFF  }
0x25: {  	[dreg:$0x0] =	wrdreg $0x60  }
0x26: {  	[dreg:$0x2] =	wrdreg s25  }
0x27: {  	[dreg:$0x3] =	wrdreg $0x9  }
0x28: {  	_ =	task.clear_ibuf [dreg:s6], $0x4FFFF;
	_ =	strace $0x90000046  }
0x29: {  	s29 =	simm.s32 $0x9;
	_ =	strace $0x80000048  }
0x2a: {  	_ =	swait.ge [sflag:s29], $0x1  }
0x2b: {  	[sflag:s29] =	ssyncadd.s32 $0xFFFFFFFF  }
0x2c: {  	_ =	strace $0x90000048  }
0x2d: {  	_ =	sfence  }
0x2e: {  	s30 =	sld [smem:$0x0];
	_ =	sdelay $0x2  }
0x2f: {  	s31 =	sshll.u32 s3, $0xD;
	s3 =	sshrl.u32 s3, $0x2  }
0x30: {  	s2 =	sand.u32 $0x4000, s31;
	s1 =	sadd.s32 s3, s30  }
0x31: {  	s0 =	sor.u32 s2, s0;
	s1 =	sshll.u32 s1, $0x11  }
0x32: {  	s0 =	sor.u32 s1, s0  }
0x33: {  	s0 =	sadd.s32 $0x8F2B, s0  }
0x34: {  	[sflag:s0] =	ssyncadd.remote.s32 $0x1  }
0x35: {  	_ =	sfence.sel $0xFFFF  }
0x36: {  	[dreg:$0x0] =	wrdreg $0xFFFFFFFF;
	(pc) =	sbr.abs _section_cstart, $3  }
0x37: {  	[dreg:$0x1] =	wrdreg $0xFFFFFFFF  }
0x38: {  	_ =	task.clear_ibuf [dreg:s6], $0x2FFFF;
	_ =	strace $0x9FFFFFFF  }
0x39: {  	(tm) =	ssettm $0x7FFFFFFF  }
tec
execute0_lowered:
.L_overlay_start_1:
0x0: {  	(tag) =	ssettag $0x1  }
0x1: {  	s1 =	rddreg [dreg:$0x0]  }
0x2: {  	s0 =	rddreg [dreg:$0x1];
	s3 =	srdreg.scid  }
0x3: {  	_ =	strace $0x80000047;
	s5 =	simm.s32 $0x1;
	s7 =	simm.s32 $0x2  }
0x4: {  	s13 =	simm.s32 $0x0;
	p0 =	por $0x0, $0x0;
	s8 =	simm.s32 $0x310000  }
0x5: {  	s14 =	simm.s32 $0x0;
	s15 =	simm.s32 $0x0;
	s10 =	simm.s32 $0x0  }
.Ltmp0:
0x6: {  	s2 =	sadd.s32 $0x9F6000, s1;
	s4 =	sshll.u32 s3, $0x4;
	(pc) =	sbr.rel .LBB1_1-.Ltmp0, $4  }
0x7: {  	s3 =	sadd.s32 $0x2000, s1;
	s1 =	stileid.u32;
	s4 =	sand.u32 $0x10, s4  }
0x8: {  	s9 =	simm.s32 $0x0;
	[sflag:s5] =	ssyncpa.u1 $0x0;
	s6 =	sor.u32 s1, s4  }
0x9: {  	[sflag:s7] =	ssyncpa.u1 $0x0;
	s4 =	sand.u32 $0x7, s1;
	s6 =	sshrl.u32 s6, $0x3  }
0xa: {  	s7 =	simm.s32 $0x400;
	s12 =	smov.u32 s4;
	s11 =	smov.u32 s6  }
.LBB1_9:
0xb: {  	s16 =	sadd.s32 $0x8, s10  }
0xc: {  	s13 =	sadd.s32 $0x4, s11;
	s17 =	smov.u32 s11;
	p2 =	sgt.s32 s16, $0x37  }
0xd: {  	s17 =	smov.u32 @p2 s13  }
0xe: {  	s19 =	smov.u32 s12;
	s13 =	sadd.s32 $0x8, s12;
	p3 =	sgt.s32 s17, $0x37  }
0xf: {  	p1 =	slt.u32 s9, $0x2;
	s19 =	smov.u32 @p3 s13  }
0x10: {  	s9 =	sadd.s32 $0x1, s9;
	s16 =	simm.s32 @p2 $0x0;
	p2 =	sgt.s32 s19, $0x7  }
0x11: {  	s19 =	smov.u32 @p2 s4;
	p2 =	sne.s32 s9, $0x64  }
.Ltmp1:
0x12: {  	s18 =	simm.s32 @!p1 $0x2;
	(pc) =	sbr.rel @!p2 .LBB1_10-.Ltmp1, $4  }
0x13: {  	s14 =	smov.u32 s11;
	_ =	swait.ge @!p1 [sflag:s18], $0x4000  }
0x14: {  	s15 =	smov.u32 s12;
	p0 =	por !p0, !p0;
	[sflag:s18] =	ssyncset.done @!p1 $0x0  }
0x15: {  	s17 =	smov.u32 @p3 s6;
	s13 =	smov.u32 s10;
	[sflag:s18] =	ssyncadd.s32 @!p1 $0xFFFFC000  }
0x16: {  	s10 =	smov.u32 s16;
	s11 =	smov.u32 s17;
	s12 =	smov.u32 s19  }
.LBB1_1:
0x17: {  	p1 =	sgt.u32 s9, $0x61  }
0x18: {  	s16 =	smul.u32 @!p1 $0xC4000, s12  }
0x19: {  	s17 =	smul.u32 @!p1 $0x3800, s11  }
0x1a: {  	s18 =	sxor.u32 @!p1 $0xFFFFFFFF, s9;
	s16 =	sadd.s32 @!p1 s2, s16  }
0x1b: {  	s19 =	sshll.u32 @!p1 s10, $0x8;
	s18 =	sshll.u32 @!p1 s18, $0xE;
	s16 =	sadd.s32 @!p1 s17, s16  }
0x1c: {  	s17 =	sand.u32 @!p1 $0x4000, s18;
	s18 =	simm.s32 @!p1 $0x0;
	s16 =	sadd.s32 @!p1 s19, s16  }
0x1d: {  	[tilespmem:s17], [sflag:$0x1] =	stream.linear.gather @!p1 [hbm4b:s16+s18], $0x4000, $0x38;
	[tilespmem:$0x10000] =	vst v63  }
0x1e: {  	p1 =	seq.s32 s9, $0x0  }
0x1f: {  	p2 =	seq.s32 @!p1 s9, $0x63  }
0x20: {  	p1 =	por p1, p2  }
.Ltmp2:
0x21: {  	_ = 	snop;
	(pc) =	sbr.rel @p1 .LBB1_9-.Ltmp2, $1  }
0x22: {  	_ =	sdelay $0x3  }
0x23: {  	s16 =	simm.s32 $0x1;
	_ =	swait.ge [sflag:s5], $0x4000;
	s19 =	sshll.u32 s9, $0xE  }
0x24: {  	s16 =	simm.s32 @!p0 $0x0;
	[sflag:s5] =	ssyncset.done $0x0;
	s31 =	sand.u32 $0x4000, s19  }
0x25: {  	s19 =	simm.s32 $0x0;
	s16 =	sshll.u32 s16, $0xE;
	[sflag:s5] =	ssyncadd.s32 $0xFFFFC000  }
0x26: {  	s17 =	sor.u32 $0x8040, s16;
	s18 =	sor.u32 $0x40, s16;
	s16 =	sor.u32 $0x8000, s31  }
.LBB1_3:
0x27: {  	s20 =	smov.u32 s18;
	s21 =	smov.u32 s17;
	s22 =	simm.s32 $0x0  }
.LBB1_4:
0x28: {  	v0 =	vmov s20;
	_ =	sdelay $0x3  }
0x29: {  	s24 =	simm.s32 $0x0  }
0x2a: {  	v6 =	vld.idx.msk [tilespmem:v0+s24+$0x30 ss:$0x1], $0xffff  }
0x2b: {  	v7 =	vld.idx.msk [tilespmem:v0+s24+$0xFFFFFFC0 ss:$0x1], $0xffff  }
0x2c: {  	v5 =	vld.idx.msk [tilespmem:v0+s24+$0xFFFFFFD0 ss:$0x1], $0xffff  }
0x2d: {  	v4 =	vld.idx.msk [tilespmem:v0+s24+$0xFFFFFFE0 ss:$0x1], $0xffff  }
0x2e: {  	v3 =	vld.idx.msk [tilespmem:v0+s24+$0xFFFFFFF0 ss:$0x1], $0xffff  }
0x2f: {  	v1 =	vld.idx.msk [tilespmem:v0+s24+$0x0 ss:$0x1], $0xffff  }
0x30: {  	v2 =	vld.idx.msk [tilespmem:v0+s24+$0x10 ss:$0x1], $0xffff;
	[tilespmem:s21+$0x30] =	vst v6  }
0x31: {  	s23 =	simm.s32 $0x80;
	s25 =	simm.s32 $0x400;
	[tilespmem:s21+$0xFFFFFFC0] =	vst v7;
	v6 =	vld.idx.msk [tilespmem:v0+s24+$0x20 ss:$0x1], $0xffff;
	s24 =	smov.u32 s21  }
.LBB1_5:
0x32: {  	p1 =	sne.s32 s25, $0x600;
	v7 =	vld.idx.msk [tilespmem:v0+s23+$0x30 ss:$0x1], $0xffff;
	[tilespmem:s24+$0xFFFFFFD0] =	vst v5  }
0x33: {  	v8 =	vld.idx.msk [tilespmem:v0+s23+$0xFFFFFFC0 ss:$0x1], $0xffff;
	[tilespmem:s24+$0xFFFFFFE0] =	vst v4  }
0x34: {  	v5 =	vld.idx.msk [tilespmem:v0+s23+$0xFFFFFFD0 ss:$0x1], $0xffff;
	[tilespmem:s24+$0xFFFFFFF0] =	vst v3  }
.Ltmp3:
0x35: {  	v4 =	vld.idx.msk [tilespmem:v0+s23+$0xFFFFFFE0 ss:$0x1], $0xffff;
	[tilespmem:s24+$0x0] =	vst v1;
	(pc) =	sbr.rel @p1 .LBB1_5-.Ltmp3, $4  }
0x36: {  	v3 =	vld.idx.msk [tilespmem:v0+s23+$0xFFFFFFF0 ss:$0x1], $0xffff;
	[tilespmem:s24+$0x10] =	vst v2  }
0x37: {  	v1 =	vld.idx.msk [tilespmem:v0+s23+$0x0 ss:$0x1], $0xffff;
	[tilespmem:s24+$0x20] =	vst v6;
	s24 =	sadd.s32 $0x400, s24  }
0x38: {  	v2 =	vld.idx.msk [tilespmem:v0+s23+$0x10 ss:$0x1], $0xffff;
	[tilespmem:s24+$0x30] =	vst v7  }
0x39: {  	[tilespmem:s24+$0xFFFFFFC0] =	vst v8;
	v6 =	vld.idx.msk [tilespmem:v0+s23+$0x20 ss:$0x1], $0xffff;
	s23 =	sshra.s32 s25, $0x2;
	s25 =	sadd.s32 $0x200, s25  }
0x3a: {  	_ =	sdelay $0x2  }
0x3b: {  	[tilespmem:s24+$0xFFFFFFD0] =	vst v5  }
0x3c: {  	v56 =	vld.idx.msk [tilespmem:v0+s23+$0x30 ss:$0x1], $0xffff;
	[tilespmem:s24+$0xFFFFFFE0] =	vst v4  }
0x3d: {  	v57 =	vld.idx.msk [tilespmem:v0+s23+$0xFFFFFFC0 ss:$0x1], $0xffff;
	[tilespmem:s24+$0xFFFFFFF0] =	vst v3  }
0x3e: {  	v58 =	vld.idx.msk [tilespmem:v0+s23+$0xFFFFFFD0 ss:$0x1], $0xffff;
	[tilespmem:s24+$0x0] =	vst v1  }
0x3f: {  	v59 =	vld.idx.msk [tilespmem:v0+s23+$0xFFFFFFE0 ss:$0x1], $0xffff;
	[tilespmem:s24+$0x10] =	vst v2  }
0x40: {  	v60 =	vld.idx.msk [tilespmem:v0+s23+$0xFFFFFFF0 ss:$0x1], $0xffff;
	s31 =	sadd.s32 $0x400, s24;
	[tilespmem:s24+$0x20] =	vst v6  }
0x41: {  	v61 =	vld.idx.msk [tilespmem:v0+s23+$0x0 ss:$0x1], $0xffff;
	[tilespmem:s31+$0x30] =	vst v56  }
0x42: {  	v62 =	vld.idx.msk [tilespmem:v0+s23+$0x10 ss:$0x1], $0xffff;
	s22 =	sadd.s32 $0x1, s22;
	[tilespmem:s31+$0xFFFFFFC0] =	vst v57  }
0x43: {  	v63 =	vld.idx.msk [tilespmem:v0+s23+$0x20 ss:$0x1], $0xffff;
	p1 =	sne.s32 s22, $0x4;
	[tilespmem:s31+$0xFFFFFFD0] =	vst v58  }
.Ltmp4:
0x44: {  	[tilespmem:s31+$0xFFFFFFE0] =	vst v59;
	(pc) =	sbr.rel @p1 .LBB1_4-.Ltmp4, $4  }
0x45: {  	[tilespmem:s31+$0xFFFFFFF0] =	vst v60  }
0x46: {  	[tilespmem:s31+$0x0] =	vst v61  }
0x47: {  	[tilespmem:s31+$0x10] =	vst v62  }
0x48: {  	s21 =	sadd.s32 $0x1000, s21;
	s20 =	sadd.s32 $0x200, s20;
	[tilespmem:s31+$0x20] =	vst v63  }
0x49: {  	s19 =	sadd.s32 $0x1, s19  }
0x4a: {  	p1 =	sne.s32 s19, $0x8  }
.Ltmp5:
0x4b: {  	_ = 	snop;
	(pc) =	sbr.rel @p1 .LBB1_3-.Ltmp5, $2  }
0x4c: {  	_ =	sdelay $0x2  }
0x4d: {  	s17 =	sadd.s32 $0x80, s17;
	s18 =	sadd.s32 $0x800, s18  }
0x4e: {  	s13 =	sand.u32 $0x1FFFFFF, s13;
	s15 =	smul.u32 $0xC400, s15  }
0x4f: {  	s17 =	smulhi.u32 $0x4924925, s13  }
0x50: {  	s14 =	smul.u32 $0x380, s14  }
0x51: {  	s17 =	smul.u32 $0x38, s17  }
.Ltmp6:
0x52: {  	_ = 	snop;
	(pc) =	sbr.rel .LBB1_9-.Ltmp6, $4  }
0x53: {  	s15 =	sadd.s32 s3, s15;
	s13 =	ssub.s32 s13, s17  }
0x54: {  	s14 =	sadd.s32 s14, s15;
	s13 =	sshll.u32 s13, $0x4  }
0x55: {  	s13 =	sadd.s32 s13, s14  }
0x56: {  	[hbm4b:s13+s7] =	stream.strided.scatter [tilespmem:s16], [sflag:$0x2], $0x4000, s8, s7, $0x38;
	[tilespmem:$0x10000] =	vst v63  }
.LBB1_10:
0x57: {  	_ =	sfence.sel $0x180000  }
0x58: {  	s2 =	simm.s32 $0x1;
	[bflag:$0x0] =	sbarrier.arrive $0xFFFF  }
0x59: {  	s31 =	simm.s32 $0x2;
	[sflag:s2] =	ssyncpa.u1 $0x1  }
0x5a: {  	[sflag:s31] =	ssyncpa.u1 $0x1  }
0x5b: {  	p0 =	sne.s32 s1, $0x0;
	_ =	strace $0x90000047  }
0x5c: {  	s0 =	sadd.s32 @!p0 $0x100000, s0;
	[bflag:$0x2] =	sbarrier.arrive $0xFFFF  }
0x5d: {  	[sflag:s0] =	ssyncadd.tile.s32 @!p0 $0x1;
	_ =	shalt  }
.Lfunc_end1:
_tile_overlayer_lowered:
.L_overlay_start_2:
0x5e: {  	(tag) =	ssettag $0x2  }
0x5f: {  	s0 =	rddreg [dreg:$0x0];
	s2 =	stileid.u32  }
0x60: {  	s1 =	rddreg [dreg:$0x1];
	p0 =	sne.s32 s2, $0x0  }
0x61: {  	s3 =	rddreg [dreg:$0x2];
	[bflag:$0x3] =	sbarrier.arrive $0xFFFF;
	s2 =	simm.s32 @!p0 $0x1C01  }
0x62: {  	[timem:s3], [sflag:s2] =	dma.local @!p0 [hbm:s0], s1  }
0x63: {  	s0 =	simm.s32 @!p0 $0x1  }
0x64: {  	_ =	swait.ge @!p0 [sflag:s0], s1  }
0x65: {  	s1 =	ssub.s32 @!p0 $0x0, s1;
	[sflag:s0] =	ssyncset.done @!p0 $0x0  }
0x66: {  	[sflag:s0] =	ssyncadd.s32 @!p0 s1  }
0x67: {  	[bflag:$0x3] =	sbarrier.arrive $0xFFFF  }
0x68: {  	_ =	shalt  }

// kernel: sparse-core-data-format-call.cloned.1.call-start
scs
called_computation_lowered:
.L_overlay_start_0:
0x0: {  	s1 =	sld [smem:$0x3FD9]  }
0x1: {  	s2 =	sld [smem:$0x3FFE];
	_ =	sdelay $0x1  }
0x2: {  	s3 =	srdreg.scid  }
0x3: {  	s0 =	sand.u32 $0x1, s3  }
0x4: {  	s17 =	sshll.u32 s0, $0xA;
	s1 =	sadd.s32 s2, s1  }
0x5: {  	s1 =	sadd.s32 s1, s17  }
0x6: {  	[smem:$0x3FC0] =	sst s1  }
0x7: {  	_ = 	snop  }
0x8: {  	(tm) =	ssettm $0x1  }
0x9: {  	s18 =	sld [smem:$0x3FFB];
	_ =	sdelay $0x3  }
0xa: {  	_ =	strace s18  }
0xb: {  	s1 =	sld [smem:$0x3FFC];
	_ =	sdelay $0x3  }
0xc: {  	_ =	strace s1  }
0xd: {  	s1 =	sld [smem:$0x3FFD];
	_ =	sdelay $0x3  }
0xe: {  	_ =	strace s1  }
0xf: {  	_ =	strace $0x8FFFFFFF  }
0x10: {  	s19 =	sld [smem:$0x3FDB];
	_ =	sdelay $0x1  }
0x11: {  	s20 =	simm.s32 $_scs_section_size  }
0x12: {  	s4 =	simm.s32 $_size__tile_overlayer_lowered;
	s5 =	simm.s32 $_tile_overlayer_lowered  }
0x13: {  	s23 =	simm.s32 $0x1BFF;
	s22 =	sshll.u32 s5, $0x1;
	s1 =	sadd.s32 s20, s19  }
0x14: {  	s6 =	simm.s32 $0x0;
	s21 =	sshll.u32 s4, $0x1;
	s4 =	sadd.s32 s22, s1  }
0x15: {  	[timem:s6], [sflag:s23] =	dma.local [hbm:s4], s21  }
0x16: {  	_ =	swait.ge [sflag:s23], s21  }
0x17: {  	s2 =	ssub.s32 $0x0, s21;
	[sflag:s23] =	ssyncset.done $0x0  }
0x18: {  	[sflag:s23] =	ssyncadd.s32 s2;
	_ =	sdelay $0x1  }
0x19: {  	s24 =	simm.s32 $0x1B8B  }
0x1a: {  	_ =	swait.ge [sflag:s24], $0x1  }
0x1b: {  	[sflag:s24] =	ssyncset.done $0x0  }
0x1c: {  	s26 =	simm.s32 $0x1B8E;
	s25 =	sld [smem:$0x3FFE];
	[sflag:s24] =	ssyncadd.s32 $0xFFFFFFFF  }
0x1d: {  	s27 =	simm.s32 $execute0_lowered;
	[smem:$0x3FD2] =	sst s26  }
0x1e: {  	s4 =	sshll.u32 s27, $0x1;
	_ =	strace $0x80000049;
	[dreg:$0x1] =	wrdreg $0xFFFFFFFF  }
0x1f: {  	s28 =	simm.s32 $_size_execute0_lowered;
	s1 =	sadd.s32 s1, s4;
	[dreg:$0x0] =	wrdreg $0x0  }
0x20: {  	s4 =	sshll.u32 s28, $0x1;
	[dreg:$0x2] =	wrdreg s1  }
0x21: {  	[dreg:$0x3] =	wrdreg s4  }
0x22: {  	[dreg:$0x4] =	wrdreg $0xC0  }
0x23: {  	_ =	task [dreg:s6], $0x5FFFF  }
0x24: {  	[dreg:$0x1] =	wrdreg $0xFFFFFFFF  }
0x25: {  	[dreg:$0x0] =	wrdreg $0x60  }
0x26: {  	[dreg:$0x2] =	wrdreg s25  }
0x27: {  	[dreg:$0x3] =	wrdreg $0x9  }
0x28: {  	_ =	task.clear_ibuf [dreg:s6], $0x4FFFF;
	_ =	strace $0x90000049  }
0x29: {  	s29 =	simm.s32 $0x9;
	_ =	strace $0x8000004B  }
0x2a: {  	_ =	swait.ge [sflag:s29], $0x1  }
0x2b: {  	[sflag:s29] =	ssyncadd.s32 $0xFFFFFFFF  }
0x2c: {  	_ =	strace $0x9000004B  }
0x2d: {  	_ =	sfence  }
0x2e: {  	s30 =	sld [smem:$0x0];
	_ =	sdelay $0x2  }
0x2f: {  	s31 =	sshll.u32 s3, $0xD;
	s3 =	sshrl.u32 s3, $0x2  }
0x30: {  	s2 =	sand.u32 $0x4000, s31;
	s1 =	sadd.s32 s3, s30  }
0x31: {  	s0 =	sor.u32 s2, s0;
	s1 =	sshll.u32 s1, $0x11  }
0x32: {  	s0 =	sor.u32 s1, s0  }
0x33: {  	s0 =	sadd.s32 $0x8F2B, s0  }
0x34: {  	[sflag:s0] =	ssyncadd.remote.s32 $0x1  }
0x35: {  	_ =	sfence.sel $0xFFFF  }
0x36: {  	[dreg:$0x0] =	wrdreg $0xFFFFFFFF;
	(pc) =	sbr.abs _section_cstart, $3  }
0x37: {  	[dreg:$0x1] =	wrdreg $0xFFFFFFFF  }
0x38: {  	_ =	task.clear_ibuf [dreg:s6], $0x2FFFF;
	_ =	strace $0x9FFFFFFF  }
0x39: {  	(tm) =	ssettm $0x7FFFFFFF  }
tec
execute0_lowered:
.L_overlay_start_1:
0x0: {  	(tag) =	ssettag $0x1  }
0x1: {  	s0 =	srdreg.scid  }
0x2: {  	s7 =	rddreg [dreg:$0x0];
	s8 =	simm.s32 $0x2;
	s17 =	simm.s32 $0x0  }
0x3: {  	p0 =	por $0x0, $0x0;
	s9 =	simm.s32 $0x800;
	s1 =	sshll.u32 s0, $0x4  }
0x4: {  	s10 =	simm.s32 $0x188000;
	s0 =	stileid.u32;
	s1 =	sand.u32 $0x10, s1  }
0x5: {  	s18 =	simm.s32 $0x0;
	s2 =	sand.u32 $0x1, s0;
	s1 =	sor.u32 s0, s1  }
0x6: {  	s19 =	simm.s32 $0x0;
	s30 =	ssub.s32 $0x2, s2;
	s3 =	sshrl.u32 s1, $0x1  }
0x7: {  	s4 =	sshrl.u32 s30, $0x1;
	s1 =	sand.u32 $0x1, s30;
	s5 =	ssub.s32 $0x47, s3  }
0x8: {  	s20 =	simm.s32 $0x0;
	s1 =	sadd.s32 s1, s4;
	s31 =	sshrl.u32 s5, $0x4  }
0x9: {  	s21 =	simm.s32 $0x0;
	s11 =	simm.s32 $0x0;
	s5 =	smul.u32 s31, s1  }
.Ltmp0:
0xa: {  	s13 =	simm.s32 $0x0;
	s14 =	simm.s32 $0x0;
	(pc) =	sbr.rel .LBB1_1-.Ltmp0, $4  }
0xb: {  	s16 =	simm.s32 $0x0;
	s6 =	sadd.s32 $0x2000, s7;
	s4 =	simm.s32 $0x1  }
0xc: {  	s1 =	rddreg [dreg:$0x1];
	_ =	strace $0x8000004A;
	s5 =	smul.u32 $0x7, s5  }
0xd: {  	s7 =	sadd.s32 $0x18A000, s7;
	s15 =	smov.u32 s2;
	[sflag:s4] =	ssyncpa.u1 $0x0  }
0xe: {  	s12 =	smov.u32 s3;
	[sflag:s8] =	ssyncpa.u1 $0x0;
	s8 =	sadd.s32 $0x1, s5  }
.LBB1_9:
0xf: {  	s22 =	sadd.s32 $0x8, s11  }
0x10: {  	s17 =	sadd.s32 $0x10, s12;
	s23 =	smov.u32 s12;
	p2 =	sgt.s32 s22, $0x37  }
0x11: {  	s23 =	smov.u32 @p2 s17  }
0x12: {  	s24 =	smov.u32 s13;
	s17 =	sadd.s32 $0x8, s13;
	p3 =	sgt.s32 s23, $0x37  }
0x13: {  	s24 =	smov.u32 @p3 s17  }
0x14: {  	s25 =	smov.u32 s14;
	s17 =	sadd.s32 $0x2, s14;
	p4 =	sgt.s32 s24, $0x7  }
0x15: {  	p1 =	slt.u32 s16, $0x2;
	s26 =	smov.u32 s15;
	s25 =	smov.u32 @p4 s17  }
0x16: {  	s18 =	smov.u32 s12;
	s17 =	sadd.s32 $0x2, s15;
	p5 =	sgt.s32 s25, $0x1  }
0x17: {  	s19 =	smov.u32 s13;
	s20 =	smov.u32 s14;
	s26 =	smov.u32 @p5 s17  }
0x18: {  	s21 =	smov.u32 s15;
	s22 =	simm.s32 @p2 $0x0;
	p2 =	sgt.s32 s26, $0x1  }
0x19: {  	s27 =	simm.s32 @!p1 $0x2;
	s26 =	smov.u32 @p2 s2;
	p2 =	sne.s32 s16, s8  }
.Ltmp1:
0x1a: {  	p0 =	por !p0, !p0;
	_ =	swait.ge @!p1 [sflag:s27], $0x4000;
	(pc) =	sbr.rel @!p2 .LBB1_10-.Ltmp1, $4  }
0x1b: {  	[sflag:s27] =	ssyncset.done @!p1 $0x0;
	s23 =	smov.u32 @p3 s3;
	s24 =	simm.s32 @p4 $0x0  }
0x1c: {  	[sflag:s27] =	ssyncadd.s32 @!p1 $0xFFFFC000;
	s12 =	smov.u32 s23;
	s13 =	smov.u32 s24  }
0x1d: {  	s25 =	simm.s32 @p5 $0x0;
	s17 =	smov.u32 s11;
	s11 =	smov.u32 s22  }
0x1e: {  	s14 =	smov.u32 s25;
	s16 =	sadd.s32 $0x1, s16;
	s15 =	smov.u32 s26  }
.LBB1_1:
0x1f: {  	p1 =	sge.u32 s16, s5  }
0x20: {  	s24 =	smul.u32 @!p1 $0xC4000, s15  }
0x21: {  	s22 =	sand.u32 @!p1 $0x1FFFFFF, s11;
	s25 =	smul.u32 @!p1 $0x62000, s14  }
0x22: {  	s23 =	smulhi.u32 @!p1 $0x4924925, s22  }
0x23: {  	s26 =	smul.u32 @!p1 $0xC400, s13  }
0x24: {  	s31 =	sadd.s32 $0xFFFFFFFF, s16;
	s24 =	sadd.s32 @!p1 s6, s24;
	s23 =	smul.u32 @!p1 $0x38, s23  }
0x25: {  	s27 =	sxor.u32 @!p1 $0xFFFFFFFF, s16;
	s24 =	sadd.s32 @!p1 s25, s24;
	s25 =	smul.u32 @!p1 $0x380, s12  }
0x26: {  	s27 =	sshll.u32 @!p1 s27, $0xE;
	s22 =	ssub.s32 @!p1 s22, s23;
	s23 =	sadd.s32 @!p1 s26, s24  }
0x27: {  	s24 =	sand.u32 @!p1 $0x4000, s27;
	s22 =	sshll.u32 @!p1 s22, $0x4;
	s23 =	sadd.s32 @!p1 s25, s23  }
0x28: {  	s25 =	simm.s32 @!p1 $0x62000;
	s22 =	sadd.s32 @!p1 s22, s23;
	s23 =	simm.s32 @!p1 $0x400  }
0x29: {  	[tilespmem:s24], [sflag:$0x1] =	stream.strided.gather @!p1 [hbm4b:s22+s23], $0x4000, s25, s23, $0x38;
	[tilespmem:$0x10000] =	vst v63  }
0x2a: {  	p1 =	sge.u32 s31, s5  }
.Ltmp2:
0x2b: {  	_ = 	snop;
	(pc) =	sbr.rel @p1 .LBB1_9-.Ltmp2, $1  }
0x2c: {  	_ =	sdelay $0x3  }
0x2d: {  	s22 =	simm.s32 $0x1;
	_ =	swait.ge [sflag:s4], $0x4000  }
0x2e: {  	s23 =	sshll.u32 s16, $0xE;
	s25 =	simm.s32 $0x0;
	s22 =	simm.s32 @!p0 $0x0  }
0x2f: {  	p2 =	por $0x1, $0x1;
	[sflag:s4] =	ssyncset.done $0x0;
	s22 =	sshll.u32 s22, $0x10  }
0x30: {  	s23 =	sand.u32 $0x4000, s23;
	[sflag:s4] =	ssyncadd.s32 $0xFFFFC000;
	s24 =	sshrl.u32 s22, $0x2  }
0x31: {  	s22 =	sor.u32 $0x8000, s23;
	s23 =	sadd.s32 $0x8040, s24;
	s24 =	sadd.s32 $0x40, s24  }
.LBB1_3:
0x32: {  	s26 =	sshll.u32 s25, $0x7;
	s31 =	sshll.u32 s25, $0xD  }
0x33: {  	p1 =	por p2, p2;
	s26 =	sand.u32 $0x3FFFFF80, s26;
	s27 =	sand.u32 $0x3FFFE000, s31  }
0x34: {  	s25 =	sadd.s32 s26, s23;
	s26 =	sadd.s32 s27, s24;
	s27 =	simm.s32 $0x0  }
.LBB1_4:
0x35: {  	v0 =	vmov s26;
	_ =	sdelay $0x3  }
0x36: {  	s29 =	simm.s32 $0x0  }
0x37: {  	v6 =	vld.idx.msk [tilespmem:v0+s29+$0x30 ss:$0x1], $0xffff  }
0x38: {  	v7 =	vld.idx.msk [tilespmem:v0+s29+$0xFFFFFFC0 ss:$0x1], $0xffff  }
0x39: {  	v5 =	vld.idx.msk [tilespmem:v0+s29+$0xFFFFFFD0 ss:$0x1], $0xffff  }
0x3a: {  	v4 =	vld.idx.msk [tilespmem:v0+s29+$0xFFFFFFE0 ss:$0x1], $0xffff  }
0x3b: {  	v3 =	vld.idx.msk [tilespmem:v0+s29+$0xFFFFFFF0 ss:$0x1], $0xffff  }
0x3c: {  	v1 =	vld.idx.msk [tilespmem:v0+s29+$0x0 ss:$0x1], $0xffff  }
0x3d: {  	v2 =	vld.idx.msk [tilespmem:v0+s29+$0x10 ss:$0x1], $0xffff;
	[tilespmem:s25+$0x30] =	vst v6  }
0x3e: {  	s28 =	simm.s32 $0x80;
	s30 =	simm.s32 $0x400;
	[tilespmem:s25+$0xFFFFFFC0] =	vst v7;
	v6 =	vld.idx.msk [tilespmem:v0+s29+$0x20 ss:$0x1], $0xffff;
	s29 =	smov.u32 s25  }
.LBB1_5:
0x3f: {  	p2 =	sne.s32 s30, $0xE00;
	v7 =	vld.idx.msk [tilespmem:v0+s28+$0x30 ss:$0x1], $0xffff;
	[tilespmem:s29+$0xFFFFFFD0] =	vst v5  }
0x40: {  	v8 =	vld.idx.msk [tilespmem:v0+s28+$0xFFFFFFC0 ss:$0x1], $0xffff;
	[tilespmem:s29+$0xFFFFFFE0] =	vst v4  }
0x41: {  	v5 =	vld.idx.msk [tilespmem:v0+s28+$0xFFFFFFD0 ss:$0x1], $0xffff;
	[tilespmem:s29+$0xFFFFFFF0] =	vst v3  }
.Ltmp3:
0x42: {  	v4 =	vld.idx.msk [tilespmem:v0+s28+$0xFFFFFFE0 ss:$0x1], $0xffff;
	[tilespmem:s29+$0x0] =	vst v1;
	(pc) =	sbr.rel @p2 .LBB1_5-.Ltmp3, $4  }
0x43: {  	v3 =	vld.idx.msk [tilespmem:v0+s28+$0xFFFFFFF0 ss:$0x1], $0xffff;
	[tilespmem:s29+$0x10] =	vst v2  }
0x44: {  	v1 =	vld.idx.msk [tilespmem:v0+s28+$0x0 ss:$0x1], $0xffff;
	[tilespmem:s29+$0x20] =	vst v6;
	s29 =	sadd.s32 $0x100, s29  }
0x45: {  	v2 =	vld.idx.msk [tilespmem:v0+s28+$0x10 ss:$0x1], $0xffff;
	[tilespmem:s29+$0x30] =	vst v7  }
0x46: {  	[tilespmem:s29+$0xFFFFFFC0] =	vst v8;
	v6 =	vld.idx.msk [tilespmem:v0+s28+$0x20 ss:$0x1], $0xffff;
	s28 =	sshra.s32 s30, $0x2;
	s30 =	sadd.s32 $0x200, s30  }
0x47: {  	_ =	sdelay $0x2  }
0x48: {  	[tilespmem:s29+$0xFFFFFFD0] =	vst v5  }
0x49: {  	v56 =	vld.idx.msk [tilespmem:v0+s28+$0x30 ss:$0x1], $0xffff;
	[tilespmem:s29+$0xFFFFFFE0] =	vst v4  }
0x4a: {  	v57 =	vld.idx.msk [tilespmem:v0+s28+$0xFFFFFFC0 ss:$0x1], $0xffff;
	[tilespmem:s29+$0xFFFFFFF0] =	vst v3  }
0x4b: {  	v58 =	vld.idx.msk [tilespmem:v0+s28+$0xFFFFFFD0 ss:$0x1], $0xffff;
	[tilespmem:s29+$0x0] =	vst v1  }
0x4c: {  	v59 =	vld.idx.msk [tilespmem:v0+s28+$0xFFFFFFE0 ss:$0x1], $0xffff;
	[tilespmem:s29+$0x10] =	vst v2  }
0x4d: {  	v60 =	vld.idx.msk [tilespmem:v0+s28+$0xFFFFFFF0 ss:$0x1], $0xffff;
	s31 =	sadd.s32 $0x100, s29;
	[tilespmem:s29+$0x20] =	vst v6  }
0x4e: {  	v61 =	vld.idx.msk [tilespmem:v0+s28+$0x0 ss:$0x1], $0xffff;
	[tilespmem:s31+$0x30] =	vst v56  }
0x4f: {  	v62 =	vld.idx.msk [tilespmem:v0+s28+$0x10 ss:$0x1], $0xffff;
	s27 =	sadd.s32 $0x1, s27;
	[tilespmem:s31+$0xFFFFFFC0] =	vst v57  }
0x50: {  	v63 =	vld.idx.msk [tilespmem:v0+s28+$0x20 ss:$0x1], $0xffff;
	p2 =	sne.s32 s27, $0x8;
	[tilespmem:s31+$0xFFFFFFD0] =	vst v58  }
.Ltmp4:
0x51: {  	[tilespmem:s31+$0xFFFFFFE0] =	vst v59;
	(pc) =	sbr.rel @p2 .LBB1_4-.Ltmp4, $4  }
0x52: {  	[tilespmem:s31+$0xFFFFFFF0] =	vst v60  }
0x53: {  	[tilespmem:s31+$0x0] =	vst v61  }
0x54: {  	[tilespmem:s31+$0x10] =	vst v62  }
0x55: {  	s25 =	sadd.s32 $0x800, s25;
	s26 =	sadd.s32 $0x400, s26;
	[tilespmem:s31+$0x20] =	vst v63  }
.Ltmp5:
0x56: {  	(pc) =	sbr.rel @p1 .LBB1_3-.Ltmp5, $2  }
0x57: {  	_ =	sdelay $0x2  }
0x58: {  	s25 =	simm.s32 $0x1;
	p2 =	por $0x0, $0x0  }
0x59: {  	s21 =	smul.u32 $0x700, s21  }
0x5a: {  	s19 =	smul.u32 $0x31000, s19  }
0x5b: {  	s20 =	sshll.u32 s20, $0x4;
	s18 =	smul.u32 $0xE00, s18;
	s21 =	sadd.s32 s7, s21  }
.Ltmp6:
0x5c: {  	s20 =	sand.u32 $0x10, s20;
	s19 =	sadd.s32 s19, s21;
	(pc) =	sbr.rel .LBB1_9-.Ltmp6, $4  }
0x5d: {  	s19 =	sadd.s32 s20, s19  }
0x5e: {  	s17 =	sshll.u32 s17, $0x5;
	s18 =	sadd.s32 s18, s19  }
0x5f: {  	s17 =	sadd.s32 s17, s18  }
0x60: {  	[hbm4b:s17+s9] =	stream.strided.scatter [tilespmem:s22], [sflag:$0x2], $0x4000, s10, s9, $0x38;
	[tilespmem:$0x10000] =	vst v63  }
.LBB1_10:
0x61: {  	_ =	sfence.sel $0x180000  }
0x62: {  	s2 =	simm.s32 $0x1;
	[bflag:$0x0] =	sbarrier.arrive $0xFFFF  }
0x63: {  	s31 =	simm.s32 $0x2;
	[sflag:s2] =	ssyncpa.u1 $0x1  }
0x64: {  	[sflag:s31] =	ssyncpa.u1 $0x1  }
0x65: {  	p0 =	sne.s32 s0, $0x0;
	_ =	strace $0x9000004A  }
0x66: {  	s0 =	sadd.s32 @!p0 $0x100000, s1;
	[bflag:$0x2] =	sbarrier.arrive $0xFFFF  }
0x67: {  	[sflag:s0] =	ssyncadd.tile.s32 @!p0 $0x1;
	_ =	shalt  }
.Lfunc_end1:
_tile_overlayer_lowered:
.L_overlay_start_2:
0x68: {  	(tag) =	ssettag $0x2  }
0x69: {  	s0 =	rddreg [dreg:$0x0];
	s2 =	stileid.u32  }
0x6a: {  	s1 =	rddreg [dreg:$0x1];
	p0 =	sne.s32 s2, $0x0  }
0x6b: {  	s3 =	rddreg [dreg:$0x2];
	[bflag:$0x3] =	sbarrier.arrive $0xFFFF;
	s2 =	simm.s32 @!p0 $0x1C01  }
0x6c: {  	[timem:s3], [sflag:s2] =	dma.local @!p0 [hbm:s0], s1  }
0x6d: {  	s0 =	simm.s32 @!p0 $0x1  }
0x6e: {  	_ =	swait.ge @!p0 [sflag:s0], s1  }
0x6f: {  	s1 =	ssub.s32 @!p0 $0x0, s1;
	[sflag:s0] =	ssyncset.done @!p0 $0x0  }
0x70: {  	[sflag:s0] =	ssyncadd.s32 @!p0 s1  }
0x71: {  	[bflag:$0x3] =	sbarrier.arrive $0xFFFF  }
0x72: {  	_ =	shalt  }

</sc_bundles>
